<compile_context>
chip_gen: v7x
topology: tpu7x:2x2x1
jax: 0.10.2.dev20260603
libtpu: 0.0.44.dev20260713+nightly
codegen_flags: <defaults>
</compile_context>

<pallas_src>
import functools

import jax
import jax.numpy as jnp
from jax import lax
from jax.experimental import pallas as pl
from jax.experimental.pallas import tpu as pltpu
from jax.experimental.pallas import tpu_sc as plsc

VOC = 1000
H = 512
E = 256
B = 128
T = 50
G4 = 4 * H
NW = 32
ROWS = B * T
RPW = ROWS // NW


def _lstm_update(g, c):
    ii = jax.nn.sigmoid(g[:, 0 * H:1 * H])
    ff = jax.nn.sigmoid(g[:, 1 * H:2 * H])
    gg = jnp.tanh(g[:, 2 * H:3 * H])
    oo = jax.nn.sigmoid(g[:, 3 * H:4 * H])
    c2 = ff * c + ii * gg
    return oo * jnp.tanh(c2), c2


def _dot(a, w):
    return jnp.dot(a.astype(jnp.bfloat16), w, preferred_element_type=jnp.float32)


def _fused_body(x0_ref, wi0_ref, wh0_ref, b0_ref,
                wi1_ref, wh1_ref, b1_ref,
                wi2_ref, wh2_ref, b2_ref,
                wl_ref, bl_ref,
                out_ref, hn_ref, cn_ref,
                h0s, c0s, h1s, c1s, h2s, c2s):
    w = pl.program_id(0)

    @pl.when(w == 0)
    def _init():
        z = jnp.zeros((B, H), jnp.float32)
        zb = jnp.zeros((B, H), jnp.bfloat16)
        h0s[...], c0s[...], h1s[...] = zb, z, zb
        c1s[...], h2s[...], c2s[...] = z, zb, z

    h0, c0 = h0s[...], c0s[...]
    h1, c1 = h1s[...], c1s[...]
    h2, c2 = h2s[...], c2s[...]
    hb0 = h0
    hb1 = h1

    out_ref[...] = (_dot(h2, wl_ref[...])
                    + bl_ref[...]).reshape(1, B, VOC)

    x = x0_ref[...].reshape(B, E)
    g0 = _dot(x, wi0_ref[...]) + _dot(h0, wh0_ref[...]) + b0_ref[...]
    g1 = jnp.dot(hb0, wi1_ref[...], preferred_element_type=jnp.float32) \
        + _dot(h1, wh1_ref[...]) + b1_ref[...]
    g2 = jnp.dot(hb1, wi2_ref[...], preferred_element_type=jnp.float32) \
        + _dot(h2, wh2_ref[...]) + b2_ref[...]
    nh0, nc0 = _lstm_update(g0, c0)
    nh1, nc1 = _lstm_update(g1, c1)
    nh2, nc2 = _lstm_update(g2, c2)

    @pl.when(w < T)
    def _u0():
        h0s[...], c0s[...] = nh0.astype(jnp.bfloat16), nc0

    @pl.when(jnp.logical_and(w >= 1, w <= T))
    def _u1():
        h1s[...], c1s[...] = nh1.astype(jnp.bfloat16), nc1

    @pl.when(jnp.logical_and(w >= 2, w <= T + 1))
    def _u2():
        h2s[...], c2s[...] = nh2.astype(jnp.bfloat16), nc2

    @pl.when(w == T + 2)
    def _fin():
        hn_ref[0], cn_ref[0] = h0.astype(jnp.float32), c0
        hn_ref[1], cn_ref[1] = h1.astype(jnp.float32), c1
        hn_ref[2], cn_ref[2] = h2.astype(jnp.float32), c2


def _fused_call(x0, wi0, wh0, b0, wi1, wh1, b1, wi2, wh2, b2, wl, bl):
    full = lambda w: (0, 0)
    full3 = lambda w: (0, 0, 0)
    return pl.pallas_call(
        _fused_body,
        grid=(T + 3,),
        in_specs=[
            pl.BlockSpec((1, B, E), lambda w: (jnp.minimum(w, T - 1), 0, 0)),
            pl.BlockSpec((E, G4), full), pl.BlockSpec((H, G4), full),
            pl.BlockSpec((1, G4), full),
            pl.BlockSpec((H, G4), full), pl.BlockSpec((H, G4), full),
            pl.BlockSpec((1, G4), full),
            pl.BlockSpec((H, G4), full), pl.BlockSpec((H, G4), full),
            pl.BlockSpec((1, G4), full),
            pl.BlockSpec((H, VOC), full), pl.BlockSpec((1, VOC), full),
        ],
        out_specs=[
            pl.BlockSpec((1, B, VOC), lambda w: (jnp.maximum(w - 3, 0), 0, 0)),
            pl.BlockSpec((3, B, H), full3),
            pl.BlockSpec((3, B, H), full3),
        ],
        out_shape=[
            jax.ShapeDtypeStruct((T, B, VOC), jnp.float32),
            jax.ShapeDtypeStruct((3, B, H), jnp.float32),
            jax.ShapeDtypeStruct((3, B, H), jnp.float32),
        ],
        scratch_shapes=[pltpu.VMEM((B, H), dt) for dt in
                        (jnp.bfloat16, jnp.float32, jnp.bfloat16,
                         jnp.float32, jnp.bfloat16, jnp.float32)],
    )(x0, wi0, wh0, b0, wi1, wh1, b1, wi2, wh2, b2, wl, bl)


def _gather_body(table_hbm, idx_hbm, out_hbm, idx_v, rows_v, sem):
    wid = lax.axis_index("s") * 2 + lax.axis_index("c")
    base = wid * RPW
    pltpu.sync_copy(idx_hbm.at[pl.ds(base, RPW)], idx_v)
    pltpu.async_copy(table_hbm.at[idx_v], rows_v, sem).wait()
    pltpu.sync_copy(rows_v, out_hbm.at[pl.ds(base, RPW)])


def _sc_gather(table, idx):
    mesh = plsc.VectorSubcoreMesh(core_axis_name="c", subcore_axis_name="s")
    k = functools.partial(
        pl.kernel, mesh=mesh,
        out_type=jax.ShapeDtypeStruct((ROWS, E // 2), jnp.int32),
        scratch_types=[
            pltpu.VMEM((RPW,), jnp.int32),
            pltpu.VMEM((RPW, E // 2), jnp.int32),
            pltpu.SemaphoreType.DMA,
        ],
    )(_gather_body)
    return k(table, idx)


def kernel(input_vector, embedding,
           W_ih_0, W_hh_0, b_ih_0, b_hh_0,
           W_ih_1, W_hh_1, b_ih_1, b_hh_1,
           W_ih_2, W_hh_2, b_ih_2, b_hh_2,
           W_lin, b_lin):
    bf = jnp.bfloat16
    idx_tm = input_vector.T.reshape(-1)
    table_i32 = jax.lax.bitcast_convert_type(
        embedding.astype(bf).reshape(VOC, E // 2, 2), jnp.int32)
    x0 = jax.lax.bitcast_convert_type(
        _sc_gather(table_i32, idx_tm), bf).reshape(T, B, E)

    wi0, wh0 = W_ih_0.T.astype(bf), W_hh_0.T.astype(bf)
    wi1, wh1 = W_ih_1.T.astype(bf), W_hh_1.T.astype(bf)
    wi2, wh2 = W_ih_2.T.astype(bf), W_hh_2.T.astype(bf)
    b0 = (b_ih_0 + b_hh_0).reshape(1, G4)
    b1 = (b_ih_1 + b_hh_1).reshape(1, G4)
    b2 = (b_ih_2 + b_hh_2).reshape(1, G4)
    wl = W_lin.T.astype(bf)
    bl = b_lin.reshape(1, VOC)

    out_tm, h_n, c_n = _fused_call(x0, wi0, wh0, b0, wi1, wh1, b1,
                                   wi2, wh2, b2, wl, bl)
    output_data = out_tm.transpose(1, 0, 2)
    return output_data, h_n, c_n

# --- scband reference (transcript-rebuilt; emitter-appended) ---
"""Pipeline reference for scband-rnn-28123445854486 (READ-ONLY COPY).

The authoritative reference and input builder live on the scoring server;
editing this copy changes nothing except your own understanding.
"""

import jax, jax.numpy as jnp
import numpy as np

VOC = 1000
H = 512
L = 3
E = 256
B = 128
T = 50


def setup_inputs(seed: int = 0) -> dict:
    key = jax.random.key(seed)
    ks = jax.random.split(key, 2 + 4 * L + 2)
    inp = {}
    inp["input_vector"] = jax.random.randint(ks[0], (B, T), 0, VOC, dtype=jnp.int32)
    inp["embedding"] = jax.random.normal(ks[1], (VOC, E), dtype=jnp.float32) * 0.1
    kidx = 2
    for l in range(L):
        in_size = E if l == 0 else H
        scale = 1.0 / np.sqrt(H)
        inp[f"W_ih_{l}"] = jax.random.uniform(ks[kidx], (4 * H, in_size), dtype=jnp.float32, minval=-scale, maxval=scale); kidx += 1
        inp[f"W_hh_{l}"] = jax.random.uniform(ks[kidx], (4 * H, H), dtype=jnp.float32, minval=-scale, maxval=scale); kidx += 1
        inp[f"b_ih_{l}"] = jax.random.uniform(ks[kidx], (4 * H,), dtype=jnp.float32, minval=-scale, maxval=scale); kidx += 1
        inp[f"b_hh_{l}"] = jax.random.uniform(ks[kidx], (4 * H,), dtype=jnp.float32, minval=-scale, maxval=scale); kidx += 1
    scale = 1.0 / np.sqrt(H)
    inp["W_lin"] = jax.random.uniform(ks[kidx], (VOC, H), dtype=jnp.float32, minval=-scale, maxval=scale)
    inp["b_lin"] = jax.random.uniform(ks[kidx + 1], (VOC,), dtype=jnp.float32, minval=-scale, maxval=scale)
    return inp


def _lstm_layer(x_seq, Wih, Whh, bih, bhh):
    # x_seq: [T, B, in]; PyTorch LSTM gate order i, f, g, o
    Bn = x_seq.shape[1]
    h0 = jnp.zeros((Bn, H), dtype=x_seq.dtype)
    c0 = jnp.zeros((Bn, H), dtype=x_seq.dtype)

    def step(carry, x_t):
        h, c = carry
        gates = x_t @ Wih.T + bih + h @ Whh.T + bhh
        i, f, g, o = jnp.split(gates, 4, axis=-1)
        i = jax.nn.sigmoid(i)
        f = jax.nn.sigmoid(f)
        g = jnp.tanh(g)
        o = jax.nn.sigmoid(o)
        c2 = f * c + i * g
        h2 = o * jnp.tanh(c2)
        return (h2, c2), h2

    (hT, cT), ys = jax.lax.scan(step, (h0, c0), x_seq)
    return ys, hT, cT


def reference(input_vector, embedding,
              W_ih_0, W_hh_0, b_ih_0, b_hh_0,
              W_ih_1, W_hh_1, b_ih_1, b_hh_1,
              W_ih_2, W_hh_2, b_ih_2, b_hh_2,
              W_lin, b_lin):
    batch_size, seq_size = input_vector.shape
    embedded = jnp.take(embedding, input_vector, axis=0)  # [B, T, E]
    x = jnp.transpose(embedded, (1, 0, 2))  # [T, B, E]
    layers = [(W_ih_0, W_hh_0, b_ih_0, b_hh_0),
              (W_ih_1, W_hh_1, b_ih_1, b_hh_1),
              (W_ih_2, W_hh_2, b_ih_2, b_hh_2)]
    hs, cs = [], []
    for (Wih, Whh, bih, bhh) in layers:
        x, hT, cT = _lstm_layer(x, Wih, Whh, bih, bhh)
        hs.append(hT)
        cs.append(cT)
    output_vector = jnp.transpose(x, (1, 0, 2))  # [B, T, H]
    flat = output_vector.reshape(-1, H)
    output_data = (flat @ W_lin.T + b_lin).reshape(batch_size, seq_size, -1)
    h_n = jnp.stack(hs, axis=0)  # [L, B, H]
    c_n = jnp.stack(cs, axis=0)
    return output_data, h_n, c_n

if __name__ == "__main__":
    import jax
    _d = setup_inputs()
    print(jax.jit(kernel)(*tuple(_d.values())))

</pallas_src>

<mosaic_0001>
#map = affine_map<(d0, d1) -> (0, 0)>
#map1 = affine_map<(d0, d1) -> (0)>
module attributes {stable_mosaic.version = 14 : i64} {
  func.func @_gather_body(%arg0: i32, %arg1: i32, %arg2: memref<1000x128xi32, #tpu.memory_space<hbm>>, %arg3: memref<6400xi32, #tpu.memory_space<hbm>>, %arg4: memref<6400x128xi32, #tpu.memory_space<hbm>>, %arg5: memref<200xi32, #tpu.memory_space<vmem>>, %arg6: memref<200x128xi32, #tpu.memory_space<vmem>>, %arg7: memref<!tpu.dma_semaphore, #tpu.memory_space<semaphore_mem>>) attributes {dimension_semantics = [#tpu.dimension_semantics<core_parallel>, #tpu.dimension_semantics<subcore_parallel>], iteration_bounds = array<i64: 2, 16>, scalar_prefetch = 0 : i64, scratch_operands = 3 : i64, tpu.core_type = #tpu.core_type<sc_vector_subcore>, window_params = [{transform_indices = #map}, {transform_indices = #map1}, {transform_indices = #map}]} {
    %mul3A = arith.constant 2 : i32
    %mul3A_0 = arith.muli %arg1, %mul3A : i32
    %add3A = arith.addi %mul3A_0, %arg0 : i32
    %mul3A_1 = arith.constant 200 : i32
    %mul3A_2 = arith.muli %add3A, %mul3A_1 : i32
    "tpu.region"() ({
      %run_scoped3A = tpu.sem_alloc : memref<!tpu.dma_semaphore, #tpu.memory_space<semaphore_mem>>
      %dma_start3A_7 = tpu.memref_slice %arg3[%mul3A_2] : memref<6400xi32, #tpu.memory_space<hbm>> -> memref<200xi32, #tpu.memory_space<hbm>>
      %dma_start3A_8 = tpu.memref_slice %arg3[%mul3A_2] : memref<6400xi32, #tpu.memory_space<hbm>> -> memref<200xi32, #tpu.memory_space<hbm>>
      tpu.enqueue_dma source(%dma_start3A_8 : memref<200xi32, #tpu.memory_space<hbm>>) target(%arg5 : memref<200xi32, #tpu.memory_space<vmem>>) target_semaphore(%run_scoped3A : memref<!tpu.dma_semaphore, #tpu.memory_space<semaphore_mem>>)
      %dma_wait3A_9 = tpu.memref_slice %arg3[%mul3A_2] : memref<6400xi32, #tpu.memory_space<hbm>> -> memref<200xi32, #tpu.memory_space<hbm>>
      %dma_wait3A_10 = tpu.memref_slice %arg3[%mul3A_2] : memref<6400xi32, #tpu.memory_space<hbm>> -> memref<200xi32, #tpu.memory_space<hbm>>
      tpu.wait_dma2 semaphore(%run_scoped3A : memref<!tpu.dma_semaphore, #tpu.memory_space<semaphore_mem>>) src(%dma_wait3A_10 : memref<200xi32, #tpu.memory_space<hbm>>) dst(%arg5 : memref<200xi32, #tpu.memory_space<vmem>>)
      tpu.yield
    }) : () -> ()
    %dma_start3A = arith.constant 0 : i32
    %dma_start3A_3 = arith.constant 0 : i32
    %dma_start3A_4 = tpu.memref_slice %arg2[%dma_start3A, %dma_start3A_3] : memref<1000x128xi32, #tpu.memory_space<hbm>> -> memref<1000x128xi32, #tpu.memory_space<hbm>>
    tpu.enqueue_indirect_dma source(%dma_start3A_4 : memref<1000x128xi32, #tpu.memory_space<hbm>>) target(%arg6 : memref<200x128xi32, #tpu.memory_space<vmem>>) offsets(%arg5 : memref<200xi32, #tpu.memory_space<vmem>>) semaphore(%arg7 : memref<!tpu.dma_semaphore, #tpu.memory_space<semaphore_mem>>)
    %dma_wait3A = arith.constant 0 : i32
    %dma_wait3A_5 = arith.constant 0 : i32
    %dma_wait3A_6 = tpu.memref_slice %arg2[%dma_wait3A, %dma_wait3A_5] : memref<1000x128xi32, #tpu.memory_space<hbm>> -> memref<1000x128xi32, #tpu.memory_space<hbm>>
    tpu.wait_indirect_dma semaphore(%arg7 : memref<!tpu.dma_semaphore, #tpu.memory_space<semaphore_mem>>) src(%dma_wait3A_6 : memref<1000x128xi32, #tpu.memory_space<hbm>>) dst(%arg6 : memref<200x128xi32, #tpu.memory_space<vmem>>)
    "tpu.region"() ({
      %run_scoped3A = tpu.sem_alloc : memref<!tpu.dma_semaphore, #tpu.memory_space<semaphore_mem>>
      %dma_start3A_7 = arith.constant 0 : i32
      %dma_start3A_8 = tpu.memref_slice %arg4[%mul3A_2, %dma_start3A_7] : memref<6400x128xi32, #tpu.memory_space<hbm>> -> memref<200x128xi32, #tpu.memory_space<hbm>>
      %dma_start3A_9 = arith.constant 0 : i32
      %dma_start3A_10 = tpu.memref_slice %arg4[%mul3A_2, %dma_start3A_9] : memref<6400x128xi32, #tpu.memory_space<hbm>> -> memref<200x128xi32, #tpu.memory_space<hbm>>
      tpu.enqueue_dma source(%arg6 : memref<200x128xi32, #tpu.memory_space<vmem>>) target(%dma_start3A_10 : memref<200x128xi32, #tpu.memory_space<hbm>>) target_semaphore(%run_scoped3A : memref<!tpu.dma_semaphore, #tpu.memory_space<semaphore_mem>>)
      %dma_wait3A_11 = arith.constant 0 : i32
      %dma_wait3A_12 = tpu.memref_slice %arg4[%mul3A_2, %dma_wait3A_11] : memref<6400x128xi32, #tpu.memory_space<hbm>> -> memref<200x128xi32, #tpu.memory_space<hbm>>
      %dma_wait3A_13 = arith.constant 0 : i32
      %dma_wait3A_14 = tpu.memref_slice %arg4[%mul3A_2, %dma_wait3A_13] : memref<6400x128xi32, #tpu.memory_space<hbm>> -> memref<200x128xi32, #tpu.memory_space<hbm>>
      tpu.wait_dma2 semaphore(%run_scoped3A : memref<!tpu.dma_semaphore, #tpu.memory_space<semaphore_mem>>) src(%arg6 : memref<200x128xi32, #tpu.memory_space<vmem>>) dst(%dma_wait3A_14 : memref<200x128xi32, #tpu.memory_space<hbm>>)
      tpu.yield
    }) : () -> ()
    return
  }
}

module attributes {stable_mosaic.version = 14 : i64} {
  func.func @_fused_body(%arg0: i32, %arg1: memref<1x128x256xbf16, #tpu.memory_space<vmem>>, %arg2: memref<256x2048xbf16, #tpu.memory_space<vmem>>, %arg3: memref<512x2048xbf16, #tpu.memory_space<vmem>>, %arg4: memref<1x2048xf32, #tpu.memory_space<vmem>>, %arg5: memref<512x2048xbf16, #tpu.memory_space<vmem>>, %arg6: memref<512x2048xbf16, #tpu.memory_space<vmem>>, %arg7: memref<1x2048xf32, #tpu.memory_space<vmem>>, %arg8: memref<512x2048xbf16, #tpu.memory_space<vmem>>, %arg9: memref<512x2048xbf16, #tpu.memory_space<vmem>>, %arg10: memref<1x2048xf32, #tpu.memory_space<vmem>>, %arg11: memref<512x1000xbf16, #tpu.memory_space<vmem>>, %arg12: memref<1x1000xf32, #tpu.memory_space<vmem>>, %arg13: memref<1x128x1000xf32, #tpu.memory_space<vmem>>, %arg14: memref<3x128x512xf32, #tpu.memory_space<vmem>>, %arg15: memref<3x128x512xf32, #tpu.memory_space<vmem>>, %arg16: memref<128x512xbf16, #tpu.memory_space<vmem>>, %arg17: memref<128x512xf32, #tpu.memory_space<vmem>>, %arg18: memref<128x512xbf16, #tpu.memory_space<vmem>>, %arg19: memref<128x512xf32, #tpu.memory_space<vmem>>, %arg20: memref<128x512xbf16, #tpu.memory_space<vmem>>, %arg21: memref<128x512xf32, #tpu.memory_space<vmem>>) attributes {dimension_semantics = [#tpu.dimension_semantics<arbitrary>], iteration_bounds = array<i64: 53>, scalar_prefetch = 0 : i64, scratch_operands = 6 : i64, tpu.core_type = #tpu.core_type<tc>, window_params = [{transform_indices = @transform_0, window_bounds = array<i64: 1, 128, 256>}, {pipeline_mode = #tpu.pipeline_mode<synchronous>, transform_indices = @transform_1, window_bounds = array<i64: 256, 2048>}, {pipeline_mode = #tpu.pipeline_mode<synchronous>, transform_indices = @transform_2, window_bounds = array<i64: 512, 2048>}, {pipeline_mode = #tpu.pipeline_mode<synchronous>, transform_indices = @transform_3, window_bounds = array<i64: 1, 2048>}, {pipeline_mode = #tpu.pipeline_mode<synchronous>, transform_indices = @transform_4, window_bounds = array<i64: 512, 2048>}, {pipeline_mode = #tpu.pipeline_mode<synchronous>, transform_indices = @transform_5, window_bounds = array<i64: 512, 2048>}, {pipeline_mode = #tpu.pipeline_mode<synchronous>, transform_indices = @transform_6, window_bounds = array<i64: 1, 2048>}, {pipeline_mode = #tpu.pipeline_mode<synchronous>, transform_indices = @transform_7, window_bounds = array<i64: 512, 2048>}, {pipeline_mode = #tpu.pipeline_mode<synchronous>, transform_indices = @transform_8, window_bounds = array<i64: 512, 2048>}, {pipeline_mode = #tpu.pipeline_mode<synchronous>, transform_indices = @transform_9, window_bounds = array<i64: 1, 2048>}, {pipeline_mode = #tpu.pipeline_mode<synchronous>, transform_indices = @transform_10, window_bounds = array<i64: 512, 1000>}, {pipeline_mode = #tpu.pipeline_mode<synchronous>, transform_indices = @transform_11, window_bounds = array<i64: 1, 1000>}, {transform_indices = @transform_12, window_bounds = array<i64: 1, 128, 1000>}, {pipeline_mode = #tpu.pipeline_mode<synchronous>, transform_indices = @transform_13, window_bounds = array<i64: 3, 128, 512>}, {pipeline_mode = #tpu.pipeline_mode<synchronous>, transform_indices = @transform_14, window_bounds = array<i64: 3, 128, 512>}]} {
    %eq3A = arith.constant 0 : i32
    %eq3A_0 = arith.cmpi eq, %arg0, %eq3A : i32
    %convert_element_type3A = arith.extui %eq3A_0 : i1 to i32
    %cond3A = arith.constant 0 : i32
    %cond3A_1 = arith.cmpi ne, %convert_element_type3A, %cond3A : i32
    scf.if %cond3A_1 {
      %broadcast_in_dim3A = arith.constant 0.000000e+00 : f32
      %broadcast_in_dim3A_185 = vector.broadcast %broadcast_in_dim3A : f32 to vector<128x512xf32>
      %broadcast_in_dim3A_186 = arith.constant 0.000000e+00 : bf16
      %broadcast_in_dim3A_187 = vector.broadcast %broadcast_in_dim3A_186 : bf16 to vector<128x512xbf16>
      %swap3A_188 = arith.constant 0 : index
      %swap3A_189 = arith.constant 0 : index
      %swap3A_190 = vector.load %arg16[%swap3A_188, %swap3A_189] : memref<128x512xbf16, #tpu.memory_space<vmem>>, vector<128x512xbf16>
      tpu.vector_store %arg16[%swap3A_188, %swap3A_189], %broadcast_in_dim3A_187 {strides = array<i32>} : memref<128x512xbf16, #tpu.memory_space<vmem>>, vector<128x512xbf16>,
      %swap3A_191 = arith.constant 0 : index
      %swap3A_192 = arith.constant 0 : index
      %swap3A_193 = vector.load %arg17[%swap3A_191, %swap3A_192] : memref<128x512xf32, #tpu.memory_space<vmem>>, vector<128x512xf32>
      tpu.vector_store %arg17[%swap3A_191, %swap3A_192], %broadcast_in_dim3A_185 {strides = array<i32>} : memref<128x512xf32, #tpu.memory_space<vmem>>, vector<128x512xf32>,
      %swap3A_194 = arith.constant 0 : index
      %swap3A_195 = arith.constant 0 : index
      %swap3A_196 = vector.load %arg18[%swap3A_194, %swap3A_195] : memref<128x512xbf16, #tpu.memory_space<vmem>>, vector<128x512xbf16>
      tpu.vector_store %arg18[%swap3A_194, %swap3A_195], %broadcast_in_dim3A_187 {strides = array<i32>} : memref<128x512xbf16, #tpu.memory_space<vmem>>, vector<128x512xbf16>,
      %swap3A_197 = arith.constant 0 : index
      %swap3A_198 = arith.constant 0 : index
      %swap3A_199 = vector.load %arg19[%swap3A_197, %swap3A_198] : memref<128x512xf32, #tpu.memory_space<vmem>>, vector<128x512xf32>
      tpu.vector_store %arg19[%swap3A_197, %swap3A_198], %broadcast_in_dim3A_185 {strides = array<i32>} : memref<128x512xf32, #tpu.memory_space<vmem>>, vector<128x512xf32>,
      %swap3A_200 = arith.constant 0 : index
      %swap3A_201 = arith.constant 0 : index
      %swap3A_202 = vector.load %arg20[%swap3A_200, %swap3A_201] : memref<128x512xbf16, #tpu.memory_space<vmem>>, vector<128x512xbf16>
      tpu.vector_store %arg20[%swap3A_200, %swap3A_201], %broadcast_in_dim3A_187 {strides = array<i32>} : memref<128x512xbf16, #tpu.memory_space<vmem>>, vector<128x512xbf16>,
      %swap3A_203 = arith.constant 0 : index
      %swap3A_204 = arith.constant 0 : index
      %swap3A_205 = vector.load %arg21[%swap3A_203, %swap3A_204] : memref<128x512xf32, #tpu.memory_space<vmem>>, vector<128x512xf32>
      tpu.vector_store %arg21[%swap3A_203, %swap3A_204], %broadcast_in_dim3A_185 {strides = array<i32>} : memref<128x512xf32, #tpu.memory_space<vmem>>, vector<128x512xf32>,
    } else {
    }
    %get3A = arith.constant 0 : index
    %get3A_2 = arith.constant 0 : index
    %get3A_3 = vector.load %arg16[%get3A, %get3A_2] : memref<128x512xbf16, #tpu.memory_space<vmem>>, vector<128x512xbf16>
    %get3A_4 = arith.constant 0 : index
    %get3A_5 = arith.constant 0 : index
    %get3A_6 = vector.load %arg17[%get3A_4, %get3A_5] : memref<128x512xf32, #tpu.memory_space<vmem>>, vector<128x512xf32>
    %get3A_7 = arith.constant 0 : index
    %get3A_8 = arith.constant 0 : index
    %get3A_9 = vector.load %arg18[%get3A_7, %get3A_8] : memref<128x512xbf16, #tpu.memory_space<vmem>>, vector<128x512xbf16>
    %get3A_10 = arith.constant 0 : index
    %get3A_11 = arith.constant 0 : index
    %get3A_12 = vector.load %arg19[%get3A_10, %get3A_11] : memref<128x512xf32, #tpu.memory_space<vmem>>, vector<128x512xf32>
    %get3A_13 = arith.constant 0 : index
    %get3A_14 = arith.constant 0 : index
    %get3A_15 = vector.load %arg20[%get3A_13, %get3A_14] : memref<128x512xbf16, #tpu.memory_space<vmem>>, vector<128x512xbf16>
    %get3A_16 = arith.constant 0 : index
    %get3A_17 = arith.constant 0 : index
    %get3A_18 = vector.load %arg21[%get3A_16, %get3A_17] : memref<128x512xf32, #tpu.memory_space<vmem>>, vector<128x512xf32>
    %get3A_19 = arith.constant 0 : index
    %get3A_20 = arith.constant 0 : index
    %get3A_21 = vector.load %arg11[%get3A_19, %get3A_20] : memref<512x1000xbf16, #tpu.memory_space<vmem>>, vector<512x1000xbf16>
    %dot_general3A = arith.constant dense<0.000000e+00> : vector<128x1000xf32>
    %dot_general3A_22 = tpu.matmul %get3A_15, %get3A_21, %dot_general3A {dimension_numbers = #tpu.dot_dimension_numbers<[1], [0], [0], [1], [0, 0, 1, 1], [], []>, transpose_lhs_hint = false} : vector<128x512xbf16>, vector<512x1000xbf16>, vector<128x1000xf32> -> vector<128x1000xf32>
    %get3A_23 = arith.constant 0 : index
    %get3A_24 = arith.constant 0 : index
    %get3A_25 = vector.load %arg12[%get3A_23, %get3A_24] : memref<1x1000xf32, #tpu.memory_space<vmem>>, vector<1x1000xf32>
    %add3A = vector.broadcast %get3A_25 : vector<1x1000xf32> to vector<128x1000xf32>
    %add3A_26 = arith.addf %dot_general3A_22, %add3A : vector<128x1000xf32>
    %reshape3A = vector.shape_cast %add3A_26 : vector<128x1000xf32> to vector<1x128x1000xf32>
    %swap3A = arith.constant 0 : index
    %swap3A_27 = arith.constant 0 : index
    %swap3A_28 = arith.constant 0 : index
    %swap3A_29 = vector.load %arg13[%swap3A, %swap3A_27, %swap3A_28] : memref<1x128x1000xf32, #tpu.memory_space<vmem>>, vector<1x128x1000xf32>
    tpu.vector_store %arg13[%swap3A, %swap3A_27, %swap3A_28], %reshape3A {strides = array<i32>} : memref<1x128x1000xf32, #tpu.memory_space<vmem>>, vector<1x128x1000xf32>,
    %get3A_30 = arith.constant 0 : index
    %get3A_31 = arith.constant 0 : index
    %get3A_32 = arith.constant 0 : index
    %get3A_33 = vector.load %arg1[%get3A_30, %get3A_31, %get3A_32] : memref<1x128x256xbf16, #tpu.memory_space<vmem>>, vector<1x128x256xbf16>
    %reshape3A_34 = vector.shape_cast %get3A_33 : vector<1x128x256xbf16> to vector<128x256xbf16>
    %get3A_35 = arith.constant 0 : index
    %get3A_36 = arith.constant 0 : index
    %get3A_37 = vector.load %arg2[%get3A_35, %get3A_36] : memref<256x2048xbf16, #tpu.memory_space<vmem>>, vector<256x2048xbf16>
    %dot_general3A_38 = arith.constant dense<0.000000e+00> : vector<128x2048xf32>
    %dot_general3A_39 = tpu.matmul %reshape3A_34, %get3A_37, %dot_general3A_38 {dimension_numbers = #tpu.dot_dimension_numbers<[1], [0], [0], [1], [0, 0, 1, 1], [], []>, transpose_lhs_hint = false} : vector<128x256xbf16>, vector<256x2048xbf16>, vector<128x2048xf32> -> vector<128x2048xf32>
    %get3A_40 = arith.constant 0 : index
    %get3A_41 = arith.constant 0 : index
    %get3A_42 = vector.load %arg3[%get3A_40, %get3A_41] : memref<512x2048xbf16, #tpu.memory_space<vmem>>, vector<512x2048xbf16>
    %dot_general3A_43 = arith.constant dense<0.000000e+00> : vector<128x2048xf32>
    %dot_general3A_44 = tpu.matmul %get3A_3, %get3A_42, %dot_general3A_43 {dimension_numbers = #tpu.dot_dimension_numbers<[1], [0], [0], [1], [0, 0, 1, 1], [], []>, transpose_lhs_hint = false} : vector<128x512xbf16>, vector<512x2048xbf16>, vector<128x2048xf32> -> vector<128x2048xf32>
    %add3A_45 = arith.addf %dot_general3A_39, %dot_general3A_44 : vector<128x2048xf32>
    %get3A_46 = arith.constant 0 : index
    %get3A_47 = arith.constant 0 : index
    %get3A_48 = vector.load %arg4[%get3A_46, %get3A_47] : memref<1x2048xf32, #tpu.memory_space<vmem>>, vector<1x2048xf32>
    %add3A_49 = vector.broadcast %get3A_48 : vector<1x2048xf32> to vector<128x2048xf32>
    %add3A_50 = arith.addf %add3A_45, %add3A_49 : vector<128x2048xf32>
    %get3A_51 = arith.constant 0 : index
    %get3A_52 = arith.constant 0 : index
    %get3A_53 = vector.load %arg5[%get3A_51, %get3A_52] : memref<512x2048xbf16, #tpu.memory_space<vmem>>, vector<512x2048xbf16>
    %dot_general3A_54 = arith.constant dense<0.000000e+00> : vector<128x2048xf32>
    %dot_general3A_55 = tpu.matmul %get3A_3, %get3A_53, %dot_general3A_54 {dimension_numbers = #tpu.dot_dimension_numbers<[1], [0], [0], [1], [0, 0, 1, 1], [], []>, transpose_lhs_hint = false} : vector<128x512xbf16>, vector<512x2048xbf16>, vector<128x2048xf32> -> vector<128x2048xf32>
    %get3A_56 = arith.constant 0 : index
    %get3A_57 = arith.constant 0 : index
    %get3A_58 = vector.load %arg6[%get3A_56, %get3A_57] : memref<512x2048xbf16, #tpu.memory_space<vmem>>, vector<512x2048xbf16>
    %dot_general3A_59 = arith.constant dense<0.000000e+00> : vector<128x2048xf32>
    %dot_general3A_60 = tpu.matmul %get3A_9, %get3A_58, %dot_general3A_59 {dimension_numbers = #tpu.dot_dimension_numbers<[1], [0], [0], [1], [0, 0, 1, 1], [], []>, transpose_lhs_hint = false} : vector<128x512xbf16>, vector<512x2048xbf16>, vector<128x2048xf32> -> vector<128x2048xf32>
    %add3A_61 = arith.addf %dot_general3A_55, %dot_general3A_60 : vector<128x2048xf32>
    %get3A_62 = arith.constant 0 : index
    %get3A_63 = arith.constant 0 : index
    %get3A_64 = vector.load %arg7[%get3A_62, %get3A_63] : memref<1x2048xf32, #tpu.memory_space<vmem>>, vector<1x2048xf32>
    %add3A_65 = vector.broadcast %get3A_64 : vector<1x2048xf32> to vector<128x2048xf32>
    %add3A_66 = arith.addf %add3A_61, %add3A_65 : vector<128x2048xf32>
    %get3A_67 = arith.constant 0 : index
    %get3A_68 = arith.constant 0 : index
    %get3A_69 = vector.load %arg8[%get3A_67, %get3A_68] : memref<512x2048xbf16, #tpu.memory_space<vmem>>, vector<512x2048xbf16>
    %dot_general3A_70 = arith.constant dense<0.000000e+00> : vector<128x2048xf32>
    %dot_general3A_71 = tpu.matmul %get3A_9, %get3A_69, %dot_general3A_70 {dimension_numbers = #tpu.dot_dimension_numbers<[1], [0], [0], [1], [0, 0, 1, 1], [], []>, transpose_lhs_hint = false} : vector<128x512xbf16>, vector<512x2048xbf16>, vector<128x2048xf32> -> vector<128x2048xf32>
    %get3A_72 = arith.constant 0 : index
    %get3A_73 = arith.constant 0 : index
    %get3A_74 = vector.load %arg9[%get3A_72, %get3A_73] : memref<512x2048xbf16, #tpu.memory_space<vmem>>, vector<512x2048xbf16>
    %dot_general3A_75 = arith.constant dense<0.000000e+00> : vector<128x2048xf32>
    %dot_general3A_76 = tpu.matmul %get3A_15, %get3A_74, %dot_general3A_75 {dimension_numbers = #tpu.dot_dimension_numbers<[1], [0], [0], [1], [0, 0, 1, 1], [], []>, transpose_lhs_hint = false} : vector<128x512xbf16>, vector<512x2048xbf16>, vector<128x2048xf32> -> vector<128x2048xf32>
    %add3A_77 = arith.addf %dot_general3A_71, %dot_general3A_76 : vector<128x2048xf32>
    %get3A_78 = arith.constant 0 : index
    %get3A_79 = arith.constant 0 : index
    %get3A_80 = vector.load %arg10[%get3A_78, %get3A_79] : memref<1x2048xf32, #tpu.memory_space<vmem>>, vector<1x2048xf32>
    %add3A_81 = vector.broadcast %get3A_80 : vector<1x2048xf32> to vector<128x2048xf32>
    %add3A_82 = arith.addf %add3A_77, %add3A_81 : vector<128x2048xf32>
    %slice3A = vector.extract_strided_slice %add3A_50 {offsets = [0, 0], sizes = [128, 512], strides = [1, 1]} : vector<128x2048xf32> to vector<128x512xf32>
    %logistic3A = arith.negf %slice3A : vector<128x512xf32>
    %logistic3A_83 = math.exp %logistic3A : vector<128x512xf32>
    %logistic3A_84 = arith.constant 1.000000e+00 : f32
    %logistic3A_85 = vector.broadcast %logistic3A_84 : f32 to vector<128x512xf32>
    %logistic3A_86 = arith.addf %logistic3A_85, %logistic3A_83 : vector<128x512xf32>
    %logistic3A_87 = arith.divf %logistic3A_85, %logistic3A_86 : vector<128x512xf32>
    %slice3A_88 = vector.extract_strided_slice %add3A_50 {offsets = [0, 512], sizes = [128, 512], strides = [1, 1]} : vector<128x2048xf32> to vector<128x512xf32>
    %logistic3A_89 = arith.negf %slice3A_88 : vector<128x512xf32>
    %logistic3A_90 = math.exp %logistic3A_89 : vector<128x512xf32>
    %logistic3A_91 = arith.constant 1.000000e+00 : f32
    %logistic3A_92 = vector.broadcast %logistic3A_91 : f32 to vector<128x512xf32>
    %logistic3A_93 = arith.addf %logistic3A_92, %logistic3A_90 : vector<128x512xf32>
    %logistic3A_94 = arith.divf %logistic3A_92, %logistic3A_93 : vector<128x512xf32>
    %slice3A_95 = vector.extract_strided_slice %add3A_50 {offsets = [0, 1024], sizes = [128, 512], strides = [1, 1]} : vector<128x2048xf32> to vector<128x512xf32>
    %tanh3A = math.tanh %slice3A_95 : vector<128x512xf32>
    %slice3A_96 = vector.extract_strided_slice %add3A_50 {offsets = [0, 1536], sizes = [128, 512], strides = [1, 1]} : vector<128x2048xf32> to vector<128x512xf32>
    %logistic3A_97 = arith.negf %slice3A_96 : vector<128x512xf32>
    %logistic3A_98 = math.exp %logistic3A_97 : vector<128x512xf32>
    %logistic3A_99 = arith.constant 1.000000e+00 : f32
    %logistic3A_100 = vector.broadcast %logistic3A_99 : f32 to vector<128x512xf32>
    %logistic3A_101 = arith.addf %logistic3A_100, %logistic3A_98 : vector<128x512xf32>
    %logistic3A_102 = arith.divf %logistic3A_100, %logistic3A_101 : vector<128x512xf32>
    %mul3A = arith.mulf %logistic3A_94, %get3A_6 : vector<128x512xf32>
    %mul3A_103 = arith.mulf %logistic3A_87, %tanh3A : vector<128x512xf32>
    %add3A_104 = arith.addf %mul3A, %mul3A_103 : vector<128x512xf32>
    %tanh3A_105 = math.tanh %add3A_104 : vector<128x512xf32>
    %mul3A_106 = arith.mulf %logistic3A_102, %tanh3A_105 : vector<128x512xf32>
    %slice3A_107 = vector.extract_strided_slice %add3A_66 {offsets = [0, 0], sizes = [128, 512], strides = [1, 1]} : vector<128x2048xf32> to vector<128x512xf32>
    %logistic3A_108 = arith.negf %slice3A_107 : vector<128x512xf32>
    %logistic3A_109 = math.exp %logistic3A_108 : vector<128x512xf32>
    %logistic3A_110 = arith.constant 1.000000e+00 : f32
    %logistic3A_111 = vector.broadcast %logistic3A_110 : f32 to vector<128x512xf32>
    %logistic3A_112 = arith.addf %logistic3A_111, %logistic3A_109 : vector<128x512xf32>
    %logistic3A_113 = arith.divf %logistic3A_111, %logistic3A_112 : vector<128x512xf32>
    %slice3A_114 = vector.extract_strided_slice %add3A_66 {offsets = [0, 512], sizes = [128, 512], strides = [1, 1]} : vector<128x2048xf32> to vector<128x512xf32>
    %logistic3A_115 = arith.negf %slice3A_114 : vector<128x512xf32>
    %logistic3A_116 = math.exp %logistic3A_115 : vector<128x512xf32>
    %logistic3A_117 = arith.constant 1.000000e+00 : f32
    %logistic3A_118 = vector.broadcast %logistic3A_117 : f32 to vector<128x512xf32>
    %logistic3A_119 = arith.addf %logistic3A_118, %logistic3A_116 : vector<128x512xf32>
    %logistic3A_120 = arith.divf %logistic3A_118, %logistic3A_119 : vector<128x512xf32>
    %slice3A_121 = vector.extract_strided_slice %add3A_66 {offsets = [0, 1024], sizes = [128, 512], strides = [1, 1]} : vector<128x2048xf32> to vector<128x512xf32>
    %tanh3A_122 = math.tanh %slice3A_121 : vector<128x512xf32>
    %slice3A_123 = vector.extract_strided_slice %add3A_66 {offsets = [0, 1536], sizes = [128, 512], strides = [1, 1]} : vector<128x2048xf32> to vector<128x512xf32>
    %logistic3A_124 = arith.negf %slice3A_123 : vector<128x512xf32>
    %logistic3A_125 = math.exp %logistic3A_124 : vector<128x512xf32>
    %logistic3A_126 = arith.constant 1.000000e+00 : f32
    %logistic3A_127 = vector.broadcast %logistic3A_126 : f32 to vector<128x512xf32>
    %logistic3A_128 = arith.addf %logistic3A_127, %logistic3A_125 : vector<128x512xf32>
    %logistic3A_129 = arith.divf %logistic3A_127, %logistic3A_128 : vector<128x512xf32>
    %mul3A_130 = arith.mulf %logistic3A_120, %get3A_12 : vector<128x512xf32>
    %mul3A_131 = arith.mulf %logistic3A_113, %tanh3A_122 : vector<128x512xf32>
    %add3A_132 = arith.addf %mul3A_130, %mul3A_131 : vector<128x512xf32>
    %tanh3A_133 = math.tanh %add3A_132 : vector<128x512xf32>
    %mul3A_134 = arith.mulf %logistic3A_129, %tanh3A_133 : vector<128x512xf32>
    %slice3A_135 = vector.extract_strided_slice %add3A_82 {offsets = [0, 0], sizes = [128, 512], strides = [1, 1]} : vector<128x2048xf32> to vector<128x512xf32>
    %logistic3A_136 = arith.negf %slice3A_135 : vector<128x512xf32>
    %logistic3A_137 = math.exp %logistic3A_136 : vector<128x512xf32>
    %logistic3A_138 = arith.constant 1.000000e+00 : f32
    %logistic3A_139 = vector.broadcast %logistic3A_138 : f32 to vector<128x512xf32>
    %logistic3A_140 = arith.addf %logistic3A_139, %logistic3A_137 : vector<128x512xf32>
    %logistic3A_141 = arith.divf %logistic3A_139, %logistic3A_140 : vector<128x512xf32>
    %slice3A_142 = vector.extract_strided_slice %add3A_82 {offsets = [0, 512], sizes = [128, 512], strides = [1, 1]} : vector<128x2048xf32> to vector<128x512xf32>
    %logistic3A_143 = arith.negf %slice3A_142 : vector<128x512xf32>
    %logistic3A_144 = math.exp %logistic3A_143 : vector<128x512xf32>
    %logistic3A_145 = arith.constant 1.000000e+00 : f32
    %logistic3A_146 = vector.broadcast %logistic3A_145 : f32 to vector<128x512xf32>
    %logistic3A_147 = arith.addf %logistic3A_146, %logistic3A_144 : vector<128x512xf32>
    %logistic3A_148 = arith.divf %logistic3A_146, %logistic3A_147 : vector<128x512xf32>
    %slice3A_149 = vector.extract_strided_slice %add3A_82 {offsets = [0, 1024], sizes = [128, 512], strides = [1, 1]} : vector<128x2048xf32> to vector<128x512xf32>
    %tanh3A_150 = math.tanh %slice3A_149 : vector<128x512xf32>
    %slice3A_151 = vector.extract_strided_slice %add3A_82 {offsets = [0, 1536], sizes = [128, 512], strides = [1, 1]} : vector<128x2048xf32> to vector<128x512xf32>
    %logistic3A_152 = arith.negf %slice3A_151 : vector<128x512xf32>
    %logistic3A_153 = math.exp %logistic3A_152 : vector<128x512xf32>
    %logistic3A_154 = arith.constant 1.000000e+00 : f32
    %logistic3A_155 = vector.broadcast %logistic3A_154 : f32 to vector<128x512xf32>
    %logistic3A_156 = arith.addf %logistic3A_155, %logistic3A_153 : vector<128x512xf32>
    %logistic3A_157 = arith.divf %logistic3A_155, %logistic3A_156 : vector<128x512xf32>
    %mul3A_158 = arith.mulf %logistic3A_148, %get3A_18 : vector<128x512xf32>
    %mul3A_159 = arith.mulf %logistic3A_141, %tanh3A_150 : vector<128x512xf32>
    %add3A_160 = arith.addf %mul3A_158, %mul3A_159 : vector<128x512xf32>
    %tanh3A_161 = math.tanh %add3A_160 : vector<128x512xf32>
    %mul3A_162 = arith.mulf %logistic3A_157, %tanh3A_161 : vector<128x512xf32>
    %lt3A = arith.constant 50 : i32
    %lt3A_163 = arith.cmpi slt, %arg0, %lt3A : i32
    %convert_element_type3A_164 = arith.extui %lt3A_163 : i1 to i32
    %cond3A_165 = arith.constant 0 : i32
    %cond3A_166 = arith.cmpi ne, %convert_element_type3A_164, %cond3A_165 : i32
    scf.if %cond3A_166 {
      %convert_element_type3A_185 = arith.truncf %mul3A_106 : vector<128x512xf32> to vector<128x512xbf16>
      %swap3A_186 = arith.constant 0 : index
      %swap3A_187 = arith.constant 0 : index
      %swap3A_188 = vector.load %arg16[%swap3A_186, %swap3A_187] : memref<128x512xbf16, #tpu.memory_space<vmem>>, vector<128x512xbf16>
      tpu.vector_store %arg16[%swap3A_186, %swap3A_187], %convert_element_type3A_185 {strides = array<i32>} : memref<128x512xbf16, #tpu.memory_space<vmem>>, vector<128x512xbf16>,
      %swap3A_189 = arith.constant 0 : index
      %swap3A_190 = arith.constant 0 : index
      %swap3A_191 = vector.load %arg17[%swap3A_189, %swap3A_190] : memref<128x512xf32, #tpu.memory_space<vmem>>, vector<128x512xf32>
      tpu.vector_store %arg17[%swap3A_189, %swap3A_190], %add3A_104 {strides = array<i32>} : memref<128x512xf32, #tpu.memory_space<vmem>>, vector<128x512xf32>,
    } else {
    }
    %ge3A = arith.constant 1 : i32
    %ge3A_167 = arith.cmpi sge, %arg0, %ge3A : i32
    %le3A = arith.constant 50 : i32
    %le3A_168 = arith.cmpi sle, %arg0, %le3A : i32
    %and3A = arith.andi %ge3A_167, %le3A_168 : i1
    %convert_element_type3A_169 = arith.extui %and3A : i1 to i32
    %cond3A_170 = arith.constant 0 : i32
    %cond3A_171 = arith.cmpi ne, %convert_element_type3A_169, %cond3A_170 : i32
    scf.if %cond3A_171 {
      %convert_element_type3A_185 = arith.truncf %mul3A_134 : vector<128x512xf32> to vector<128x512xbf16>
      %swap3A_186 = arith.constant 0 : index
      %swap3A_187 = arith.constant 0 : index
      %swap3A_188 = vector.load %arg18[%swap3A_186, %swap3A_187] : memref<128x512xbf16, #tpu.memory_space<vmem>>, vector<128x512xbf16>
      tpu.vector_store %arg18[%swap3A_186, %swap3A_187], %convert_element_type3A_185 {strides = array<i32>} : memref<128x512xbf16, #tpu.memory_space<vmem>>, vector<128x512xbf16>,
      %swap3A_189 = arith.constant 0 : index
      %swap3A_190 = arith.constant 0 : index
      %swap3A_191 = vector.load %arg19[%swap3A_189, %swap3A_190] : memref<128x512xf32, #tpu.memory_space<vmem>>, vector<128x512xf32>
      tpu.vector_store %arg19[%swap3A_189, %swap3A_190], %add3A_132 {strides = array<i32>} : memref<128x512xf32, #tpu.memory_space<vmem>>, vector<128x512xf32>,
    } else {
    }
    %ge3A_172 = arith.constant 2 : i32
    %ge3A_173 = arith.cmpi sge, %arg0, %ge3A_172 : i32
    %le3A_174 = arith.constant 51 : i32
    %le3A_175 = arith.cmpi sle, %arg0, %le3A_174 : i32
    %and3A_176 = arith.andi %ge3A_173, %le3A_175 : i1
    %convert_element_type3A_177 = arith.extui %and3A_176 : i1 to i32
    %cond3A_178 = arith.constant 0 : i32
    %cond3A_179 = arith.cmpi ne, %convert_element_type3A_177, %cond3A_178 : i32
    scf.if %cond3A_179 {
      %convert_element_type3A_185 = arith.truncf %mul3A_162 : vector<128x512xf32> to vector<128x512xbf16>
      %swap3A_186 = arith.constant 0 : index
      %swap3A_187 = arith.constant 0 : index
      %swap3A_188 = vector.load %arg20[%swap3A_186, %swap3A_187] : memref<128x512xbf16, #tpu.memory_space<vmem>>, vector<128x512xbf16>
      tpu.vector_store %arg20[%swap3A_186, %swap3A_187], %convert_element_type3A_185 {strides = array<i32>} : memref<128x512xbf16, #tpu.memory_space<vmem>>, vector<128x512xbf16>,
      %swap3A_189 = arith.constant 0 : index
      %swap3A_190 = arith.constant 0 : index
      %swap3A_191 = vector.load %arg21[%swap3A_189, %swap3A_190] : memref<128x512xf32, #tpu.memory_space<vmem>>, vector<128x512xf32>
      tpu.vector_store %arg21[%swap3A_189, %swap3A_190], %add3A_160 {strides = array<i32>} : memref<128x512xf32, #tpu.memory_space<vmem>>, vector<128x512xf32>,
    } else {
    }
    %eq3A_180 = arith.constant 52 : i32
    %eq3A_181 = arith.cmpi eq, %arg0, %eq3A_180 : i32
    %convert_element_type3A_182 = arith.extui %eq3A_181 : i1 to i32
    %cond3A_183 = arith.constant 0 : i32
    %cond3A_184 = arith.cmpi ne, %convert_element_type3A_182, %cond3A_183 : i32
    scf.if %cond3A_184 {
      %convert_element_type3A_185 = arith.extf %get3A_3 : vector<128x512xbf16> to vector<128x512xf32>
      %swap3A_186 = arith.constant 0 : index
      %swap3A_187 = arith.constant 0 : index
      %swap3A_188 = arith.constant 0 : index
      %swap3A_189 = vector.load %arg14[%swap3A_186, %swap3A_187, %swap3A_188] : memref<3x128x512xf32, #tpu.memory_space<vmem>>, vector<1x128x512xf32>
      %swap3A_190 = vector.shape_cast %swap3A_189 : vector<1x128x512xf32> to vector<128x512xf32>
      %swap3A_191 = vector.shape_cast %convert_element_type3A_185 : vector<128x512xf32> to vector<1x128x512xf32>
      tpu.vector_store %arg14[%swap3A_186, %swap3A_187, %swap3A_188], %swap3A_191 {strides = array<i32>} : memref<3x128x512xf32, #tpu.memory_space<vmem>>, vector<1x128x512xf32>,
      %swap3A_192 = arith.constant 0 : index
      %swap3A_193 = arith.constant 0 : index
      %swap3A_194 = arith.constant 0 : index
      %swap3A_195 = vector.load %arg15[%swap3A_192, %swap3A_193, %swap3A_194] : memref<3x128x512xf32, #tpu.memory_space<vmem>>, vector<1x128x512xf32>
      %swap3A_196 = vector.shape_cast %swap3A_195 : vector<1x128x512xf32> to vector<128x512xf32>
      %swap3A_197 = vector.shape_cast %get3A_6 : vector<128x512xf32> to vector<1x128x512xf32>
      tpu.vector_store %arg15[%swap3A_192, %swap3A_193, %swap3A_194], %swap3A_197 {strides = array<i32>} : memref<3x128x512xf32, #tpu.memory_space<vmem>>, vector<1x128x512xf32>,
      %convert_element_type3A_198 = arith.extf %get3A_9 : vector<128x512xbf16> to vector<128x512xf32>
      %swap3A_199 = arith.constant 1 : index
      %swap3A_200 = arith.constant 0 : index
      %swap3A_201 = arith.constant 0 : index
      %swap3A_202 = vector.load %arg14[%swap3A_199, %swap3A_200, %swap3A_201] : memref<3x128x512xf32, #tpu.memory_space<vmem>>, vector<1x128x512xf32>
      %swap3A_203 = vector.shape_cast %swap3A_202 : vector<1x128x512xf32> to vector<128x512xf32>
      %swap3A_204 = vector.shape_cast %convert_element_type3A_198 : vector<128x512xf32> to vector<1x128x512xf32>
      tpu.vector_store %arg14[%swap3A_199, %swap3A_200, %swap3A_201], %swap3A_204 {strides = array<i32>} : memref<3x128x512xf32, #tpu.memory_space<vmem>>, vector<1x128x512xf32>,
      %swap3A_205 = arith.constant 1 : index
      %swap3A_206 = arith.constant 0 : index
      %swap3A_207 = arith.constant 0 : index
      %swap3A_208 = vector.load %arg15[%swap3A_205, %swap3A_206, %swap3A_207] : memref<3x128x512xf32, #tpu.memory_space<vmem>>, vector<1x128x512xf32>
      %swap3A_209 = vector.shape_cast %swap3A_208 : vector<1x128x512xf32> to vector<128x512xf32>
      %swap3A_210 = vector.shape_cast %get3A_12 : vector<128x512xf32> to vector<1x128x512xf32>
      tpu.vector_store %arg15[%swap3A_205, %swap3A_206, %swap3A_207], %swap3A_210 {strides = array<i32>} : memref<3x128x512xf32, #tpu.memory_space<vmem>>, vector<1x128x512xf32>,
      %convert_element_type3A_211 = arith.extf %get3A_15 : vector<128x512xbf16> to vector<128x512xf32>
      %swap3A_212 = arith.constant 2 : index
      %swap3A_213 = arith.constant 0 : index
      %swap3A_214 = arith.constant 0 : index
      %swap3A_215 = vector.load %arg14[%swap3A_212, %swap3A_213, %swap3A_214] : memref<3x128x512xf32, #tpu.memory_space<vmem>>, vector<1x128x512xf32>
      %swap3A_216 = vector.shape_cast %swap3A_215 : vector<1x128x512xf32> to vector<128x512xf32>
      %swap3A_217 = vector.shape_cast %convert_element_type3A_211 : vector<128x512xf32> to vector<1x128x512xf32>
      tpu.vector_store %arg14[%swap3A_212, %swap3A_213, %swap3A_214], %swap3A_217 {strides = array<i32>} : memref<3x128x512xf32, #tpu.memory_space<vmem>>, vector<1x128x512xf32>,
      %swap3A_218 = arith.constant 2 : index
      %swap3A_219 = arith.constant 0 : index
      %swap3A_220 = arith.constant 0 : index
      %swap3A_221 = vector.load %arg15[%swap3A_218, %swap3A_219, %swap3A_220] : memref<3x128x512xf32, #tpu.memory_space<vmem>>, vector<1x128x512xf32>
      %swap3A_222 = vector.shape_cast %swap3A_221 : vector<1x128x512xf32> to vector<128x512xf32>
      %swap3A_223 = vector.shape_cast %get3A_18 : vector<128x512xf32> to vector<1x128x512xf32>
      tpu.vector_store %arg15[%swap3A_218, %swap3A_219, %swap3A_220], %swap3A_223 {strides = array<i32>} : memref<3x128x512xf32, #tpu.memory_space<vmem>>, vector<1x128x512xf32>,
    } else {
    }
    return
  }
  func.func @transform_0(%arg0: i32) -> (i32, i32, i32) {
    %min3A = arith.constant 49 : i32
    %min3A_0 = arith.minsi %arg0, %min3A : i32
    %c0_i32 = arith.constant 0 : i32
    %c0_i32_1 = arith.constant 0 : i32
    %c0_i32_2 = arith.constant 0 : i32
    return %min3A_0, %c0_i32, %c0_i32_1 : i32, i32, i32
  }
  func.func @transform_1(%arg0: i32) -> (i32, i32) {
    %c0_i32 = arith.constant 0 : i32
    %c0_i32_0 = arith.constant 0 : i32
    %c0_i32_1 = arith.constant 0 : i32
    return %c0_i32, %c0_i32_0 : i32, i32
  }
  func.func @transform_2(%arg0: i32) -> (i32, i32) {
    %c0_i32 = arith.constant 0 : i32
    %c0_i32_0 = arith.constant 0 : i32
    %c0_i32_1 = arith.constant 0 : i32
    return %c0_i32, %c0_i32_0 : i32, i32
  }
  func.func @transform_3(%arg0: i32) -> (i32, i32) {
    %c0_i32 = arith.constant 0 : i32
    %c0_i32_0 = arith.constant 0 : i32
    %c0_i32_1 = arith.constant 0 : i32
    return %c0_i32, %c0_i32_0 : i32, i32
  }
  func.func @transform_4(%arg0: i32) -> (i32, i32) {
    %c0_i32 = arith.constant 0 : i32
    %c0_i32_0 = arith.constant 0 : i32
    %c0_i32_1 = arith.constant 0 : i32
    return %c0_i32, %c0_i32_0 : i32, i32
  }
  func.func @transform_5(%arg0: i32) -> (i32, i32) {
    %c0_i32 = arith.constant 0 : i32
    %c0_i32_0 = arith.constant 0 : i32
    %c0_i32_1 = arith.constant 0 : i32
    return %c0_i32, %c0_i32_0 : i32, i32
  }
  func.func @transform_6(%arg0: i32) -> (i32, i32) {
    %c0_i32 = arith.constant 0 : i32
    %c0_i32_0 = arith.constant 0 : i32
    %c0_i32_1 = arith.constant 0 : i32
    return %c0_i32, %c0_i32_0 : i32, i32
  }
  func.func @transform_7(%arg0: i32) -> (i32, i32) {
    %c0_i32 = arith.constant 0 : i32
    %c0_i32_0 = arith.constant 0 : i32
    %c0_i32_1 = arith.constant 0 : i32
    return %c0_i32, %c0_i32_0 : i32, i32
  }
  func.func @transform_8(%arg0: i32) -> (i32, i32) {
    %c0_i32 = arith.constant 0 : i32
    %c0_i32_0 = arith.constant 0 : i32
    %c0_i32_1 = arith.constant 0 : i32
    return %c0_i32, %c0_i32_0 : i32, i32
  }
  func.func @transform_9(%arg0: i32) -> (i32, i32) {
    %c0_i32 = arith.constant 0 : i32
    %c0_i32_0 = arith.constant 0 : i32
    %c0_i32_1 = arith.constant 0 : i32
    return %c0_i32, %c0_i32_0 : i32, i32
  }
  func.func @transform_10(%arg0: i32) -> (i32, i32) {
    %c0_i32 = arith.constant 0 : i32
    %c0_i32_0 = arith.constant 0 : i32
    %c0_i32_1 = arith.constant 0 : i32
    return %c0_i32, %c0_i32_0 : i32, i32
  }
  func.func @transform_11(%arg0: i32) -> (i32, i32) {
    %c0_i32 = arith.constant 0 : i32
    %c0_i32_0 = arith.constant 0 : i32
    %c0_i32_1 = arith.constant 0 : i32
    return %c0_i32, %c0_i32_0 : i32, i32
  }
  func.func @transform_12(%arg0: i32) -> (i32, i32, i32) {
    %sub3A = arith.constant 3 : i32
    %sub3A_0 = arith.subi %arg0, %sub3A : i32
    %max3A = arith.constant 0 : i32
    %max3A_1 = arith.maxsi %sub3A_0, %max3A : i32
    %c0_i32 = arith.constant 0 : i32
    %c0_i32_2 = arith.constant 0 : i32
    %c0_i32_3 = arith.constant 0 : i32
    return %max3A_1, %c0_i32, %c0_i32_2 : i32, i32, i32
  }
  func.func @transform_13(%arg0: i32) -> (i32, i32, i32) {
    %c0_i32 = arith.constant 0 : i32
    %c0_i32_0 = arith.constant 0 : i32
    %c0_i32_1 = arith.constant 0 : i32
    %c0_i32_2 = arith.constant 0 : i32
    return %c0_i32, %c0_i32_0, %c0_i32_1 : i32, i32, i32
  }
  func.func @transform_14(%arg0: i32) -> (i32, i32, i32) {
    %c0_i32 = arith.constant 0 : i32
    %c0_i32_0 = arith.constant 0 : i32
    %c0_i32_1 = arith.constant 0 : i32
    %c0_i32_2 = arith.constant 0 : i32
    return %c0_i32, %c0_i32_0, %c0_i32_1 : i32, i32, i32
  }
}

</mosaic_0001>

<sc_bundles>
// kernel: kernel.4.cloned.1.call-start
scs
__scs_entry_jumppad:
0x0: {  	(pc) =	sbr.rel $0x88, $3  }
0x1: {  	(tag) =	ssettag $0x0;
	lr =	simm.s32 $0x1  }
0x2: {  	[smem:$0x3F91] =	sst lr;
	_ =	strace $0xD0000000  }
0x3: {  	_ = 	snop  }
0x4: {  	_ = 	snop  }
0x5: {  	_ = 	snop  }
0x6: {  	_ = 	snop  }
0x7: {  	_ = 	snop  }
__scs_overlays_trampoline_lowered:
0x8: {  	[smem:$0x3FA0] =	sst s0  }
0x9: {  	[smem:$0x3FA1] =	sst s1  }
0xa: {  	[smem:$0x3FA2] =	sst s2  }
0xb: {  	[smem:$0x3FA3] =	sst s3  }
0xc: {  	[smem:$0x3FA4] =	sst s4  }
0xd: {  	[smem:$0x3FA5] =	sst s5  }
0xe: {  	[smem:$0x3FA6] =	sst s6  }
0xf: {  	[smem:$0x3FA7] =	sst s7  }
0x10: {  	[smem:$0x3FA8] =	sst s8  }
0x11: {  	[smem:$0x3FA9] =	sst s9;
	s0 =	simm.s32 @!p0 $0x0  }
0x12: {  	s1 =	sld [smem:$0x3F8F];
	s0 =	simm.s32 @p0 $0x1  }
0x13: {  	[smem:$0x3FAA] =	sst s0;
	s0 =	simm.s32 @!p1 $0x0  }
0x14: {  	s2 =	sld [smem:$0x3F8E];
	s0 =	simm.s32 @p1 $0x1  }
0x15: {  	[smem:$0x3FAB] =	sst s0;
	s0 =	simm.s32 @!p2 $0x0  }
0x16: {  	s3 =	sld [smem:$0x3FDB];
	s0 =	simm.s32 @p2 $0x1  }
0x17: {  	s4 =	simm.s32 $0x1BF5;
	[smem:$0x3FAD] =	sst s0  }
0x18: {  	s0 =	sld [smem:$0x3F90];
	_ =	swait.ge [sflag:s4], $0x0  }
0x19: {  	s7 =	sld [smem:$0x3F91]  }
0x1a: {  	s8 =	sadd.s32 $0xFFFFE003, lr  }
0x1b: {  	s9 =	sadd.s32 $0xFFFFFEF7, lr;
	s5 =	simm.s32 $0xFFFFFFFF;
	p2 =	slt.u32 s8, $0xFFFFF086  }
0x1c: {  	p1 =	slt.u32 s9, $0xF7A;
	s5 =	simm.s32 @!p2 $0x0  }
0x1d: {  	s5 =	simm.s32 @p1 $0x1;
	p0 =	seq.s32 s7, s2  }
0x1e: {  	s7 =	smul.u32 @!p0 $0xF7A, s2;
	p2 =	seq.s32 @!p0 s5, $0x0  }
0x1f: {  	s9 =	smul.u32 $0xF7A, s1;
	s8 =	simm.s32 @!p0 $0x1BF5;
	p2 =	por !p2, p0  }
0x20: {  	[sflag:s8] =	ssyncset.s32 @!p0 $0xFFFFF086;
	s6 =	sadd.s32 @!p0 s3, s7;
	s7 =	simm.s32 @!p0 $0x108  }
0x21: {  	s3 =	sadd.s32 s3, s9;
	s6 =	sadd.s32 @!p0 $0x88, s6;
	s7 =	simm.s32 @p2 $0x1082  }
0x22: {  	[simem:s7], [sflag:s8] =	dma.local @!p0 [hbm:s6], $0xF7A  }
0x23: {  	s9 =	sor.u32 $0xD0000000, s2;
	s6 =	simm.s32 $0x108;
	_ =	swait.ge @!p0 [sflag:s8], $0x0  }
0x24: {  	s3 =	sadd.s32 $0x88, s3;
	s6 =	simm.s32 @!p1 $0x1082;
	[sflag:s4] =	ssyncset.s32 $0xFFFFF086  }
0x25: {  	[simem:s6], [sflag:s4] =	dma.local [hbm:s3], $0xF7A  }
0x26: {  	[smem:$0x3F91] =	sst s1;
	(tag) =	ssettag s2;
	_ =	strace s9  }
0x27: {  	s1 =	sld [smem:$0x3FA1]  }
0x28: {  	s2 =	sld [smem:$0x3FA2]  }
0x29: {  	s4 =	sld [smem:$0x3FA4]  }
0x2a: {  	p0 =	seq.s32 s5, $0x0;
	s5 =	sld [smem:$0x3FA5]  }
0x2b: {  	s6 =	sld [smem:$0x3FA6]  }
0x2c: {  	s7 =	sld [smem:$0x3FA7]  }
0x2d: {  	s3 =	simm.s32 $0x108;
	s8 =	sld [smem:$0x3FA8]  }
0x2e: {  	s3 =	simm.s32 @!p0 $0x1082;
	s9 =	sld [smem:$0x3FA9]  }
0x2f: {  	lr =	sadd.s32 s0, s3;
	s0 =	sld [smem:$0x3FA0]  }
0x30: {  	s3 =	sld [smem:$0x3FA3]  }
0x31: {  	[smem:$0x3FAC] =	sst s10  }
0x32: {  	s10 =	sld [smem:$0x3FAA];
	_ =	sdelay $0x3  }
0x33: {  	p0 =	seq.s32 s10, $0x1;
	s10 =	sld [smem:$0x3FAC];
	_ =	sdelay $0x3  }
0x34: {  	[smem:$0x3FAC] =	sst s10  }
0x35: {  	s10 =	sld [smem:$0x3FAB];
	_ =	sdelay $0x3  }
0x36: {  	p1 =	seq.s32 s10, $0x1;
	s10 =	sld [smem:$0x3FAC];
	_ =	sdelay $0x3  }
0x37: {  	[smem:$0x3FAC] =	sst s10  }
0x38: {  	s10 =	sld [smem:$0x3FAD]  }
0x39: {  	_ = 	snop;
	(pc) =	sbr.ind lr, $3  }
0x3a: {  	_ = 	snop  }
0x3b: {  	_ = 	snop  }
0x3c: {  	p2 =	seq.s32 s10, $0x1;
	s10 =	sld [smem:$0x3FAC]  }
0x3d: {  	_ =	shalt  }
0x3e: {  	_ =	shalt  }
0x3f: {  	_ =	shalt  }
0x40: {  	_ =	shalt  }
0x41: {  	_ =	shalt  }
0x42: {  	_ =	shalt  }
0x43: {  	_ =	shalt  }
0x44: {  	_ =	shalt  }
0x45: {  	_ =	shalt  }
0x46: {  	_ =	shalt  }
0x47: {  	_ =	shalt  }
0x48: {  	_ =	shalt  }
0x49: {  	_ =	shalt  }
0x4a: {  	_ =	shalt  }
0x4b: {  	_ =	shalt  }
0x4c: {  	_ =	shalt  }
0x4d: {  	_ =	shalt  }
0x4e: {  	_ =	shalt  }
0x4f: {  	_ =	shalt  }
0x50: {  	_ =	shalt  }
0x51: {  	_ =	shalt  }
0x52: {  	_ =	shalt  }
0x53: {  	_ =	shalt  }
0x54: {  	_ =	shalt  }
0x55: {  	_ =	shalt  }
0x56: {  	_ =	shalt  }
0x57: {  	_ =	shalt  }
0x58: {  	_ =	shalt  }
0x59: {  	_ =	shalt  }
0x5a: {  	_ =	shalt  }
0x5b: {  	_ =	shalt  }
0x5c: {  	_ =	shalt  }
0x5d: {  	_ =	shalt  }
0x5e: {  	_ =	shalt  }
0x5f: {  	_ =	shalt  }
0x60: {  	_ =	shalt  }
0x61: {  	_ =	shalt  }
0x62: {  	_ =	shalt  }
0x63: {  	_ =	shalt  }
0x64: {  	_ =	shalt  }
0x65: {  	_ =	shalt  }
0x66: {  	_ =	shalt  }
0x67: {  	_ =	shalt  }
0x68: {  	_ =	shalt  }
0x69: {  	_ =	shalt  }
0x6a: {  	_ =	shalt  }
0x6b: {  	_ =	shalt  }
0x6c: {  	_ =	shalt  }
0x6d: {  	_ =	shalt  }
0x6e: {  	_ =	shalt  }
0x6f: {  	_ =	shalt  }
0x70: {  	_ =	shalt  }
0x71: {  	_ =	shalt  }
0x72: {  	_ =	shalt  }
0x73: {  	_ =	shalt  }
0x74: {  	_ =	shalt  }
0x75: {  	_ =	shalt  }
0x76: {  	_ =	shalt  }
0x77: {  	_ =	shalt  }
0x78: {  	_ =	shalt  }
0x79: {  	_ =	shalt  }
0x7a: {  	_ =	shalt  }
0x7b: {  	_ =	shalt  }
0x7c: {  	_ =	shalt  }
0x7d: {  	_ =	shalt  }
0x7e: {  	_ =	shalt  }
0x7f: {  	_ =	shalt  }
0x80: {  	_ =	shalt  }
0x81: {  	_ =	shalt  }
0x82: {  	_ =	shalt  }
0x83: {  	_ =	shalt  }
0x84: {  	_ =	shalt  }
0x85: {  	_ =	shalt  }
0x86: {  	_ =	shalt  }
0x87: {  	_ =	shalt  }
.Lfunc_end0:
.L_simem_size_0:
called_computation_lowered:
.L_overlay_start_0:
0x88: {  	s2 =	sld [smem:$0x3FD9]  }
0x89: {  	s3 =	sld [smem:$0x3FFE];
	_ =	sdelay $0x1  }
0x8a: {  	s1 =	srdreg.scid  }
0x8b: {  	s0 =	sand.u32 $0x1, s1  }
0x8c: {  	s15 =	sshll.u32 s0, $0xA;
	s2 =	sadd.s32 s3, s2  }
0x8d: {  	s2 =	sadd.s32 s2, s15  }
0x8e: {  	[smem:$0x3FB8] =	sst s2  }
0x8f: {  	_ = 	snop  }
0x90: {  	s2 =	sld [smem:$0x3FD0];
	_ =	sdelay $0x2  }
0x91: {  	s4 =	simm.s32 $0xA;
	s5 =	simm.s32 $0x10;
	s16 =	sld [smem:$0x3FC9]  }
0x92: {  	[smem:s5], [sflag:s4] =	dma.local [hbm:s2], $0x1  }
0x93: {  	_ =	swait.eq [sflag:s4], $0x1  }
0x94: {  	[sflag:s4] =	ssyncset.done $0x0  }
0x95: {  	s17 =	sld [smem:$0x10];
	[sflag:s4] =	ssyncadd.s32 $0xFFFFFFFF  }
0x96: {  	s18 =	sld [smem:$0x12];
	(tm) =	ssettm $0x1  }
0x97: {  	s19 =	sld [smem:$0x3FFB];
	_ =	sdelay $0x3  }
0x98: {  	_ =	strace s19  }
0x99: {  	s5 =	sld [smem:$0x3FFC];
	_ =	sdelay $0x3  }
0x9a: {  	_ =	strace s5  }
0x9b: {  	s5 =	sld [smem:$0x3FFD];
	_ =	sdelay $0x3  }
0x9c: {  	_ =	strace s5  }
0x9d: {  	_ =	strace $0x8FFFFFFF  }
0x9e: {  	s20 =	sld [smem:$0x3FDB];
	_ =	sdelay $0x1  }
0x9f: {  	s6 =	simm.s32 $_scs_section_size  }
0xa0: {  	s7 =	simm.s32 $_size__tile_overlayer_lowered;
	s8 =	simm.s32 $_tile_overlayer_lowered  }
0xa1: {  	s23 =	simm.s32 $0x1BFF;
	s22 =	sshll.u32 s8, $0x1;
	s5 =	sadd.s32 s6, s20  }
0xa2: {  	s9 =	simm.s32 $0x0;
	s21 =	sshll.u32 s7, $0x1;
	s7 =	sadd.s32 s22, s5  }
0xa3: {  	[timem:s9], [sflag:s23] =	dma.local [hbm:s7], s21  }
0xa4: {  	_ =	swait.ge [sflag:s23], s21  }
0xa5: {  	s6 =	ssub.s32 $0x0, s21;
	[sflag:s23] =	ssyncset.done $0x0  }
0xa6: {  	[sflag:s23] =	ssyncadd.s32 s6;
	_ =	sdelay $0x1  }
0xa7: {  	s24 =	simm.s32 $0x1B8B  }
0xa8: {  	_ =	swait.ge [sflag:s24], $0x1  }
0xa9: {  	[sflag:s24] =	ssyncset.done $0x0  }
0xaa: {  	s25 =	simm.s32 $0x1B8E;
	[sflag:s24] =	ssyncadd.s32 $0xFFFFFFFF  }
0xab: {  	s26 =	simm.s32 $execute0_lowered;
	[smem:$0x3FD2] =	sst s25  }
0xac: {  	s6 =	sshll.u32 s26, $0x1;
	_ =	strace $0x80000046;
	[dreg:$0x1] =	wrdreg $0xFFFFFFFF  }
0xad: {  	s28 =	simm.s32 $_size_execute0_lowered;
	s5 =	sadd.s32 s5, s6;
	[dreg:$0x0] =	wrdreg $0x0  }
0xae: {  	s6 =	sshll.u32 s28, $0x1;
	[dreg:$0x2] =	wrdreg s5  }
0xaf: {  	[dreg:$0x3] =	wrdreg s6  }
0xb0: {  	[dreg:$0x4] =	wrdreg $0xC0  }
0xb1: {  	_ =	task [dreg:s9], $0x5FFFF  }
0xb2: {  	[dreg:$0x1] =	wrdreg $0xFFFFFFFF  }
0xb3: {  	[dreg:$0x0] =	wrdreg $0x60  }
0xb4: {  	[dreg:$0x2] =	wrdreg s18  }
0xb5: {  	[dreg:$0x3] =	wrdreg s16  }
0xb6: {  	[dreg:$0x4] =	wrdreg s17  }
0xb7: {  	[dreg:$0x5] =	wrdreg $0x9  }
0xb8: {  	_ =	task.clear_ibuf [dreg:s9], $0x6FFFF;
	_ =	strace $0x90000046  }
0xb9: {  	s29 =	simm.s32 $0x9;
	_ =	strace $0x80000048  }
0xba: {  	_ =	swait.ge [sflag:s29], $0x1  }
0xbb: {  	[sflag:s29] =	ssyncadd.s32 $0xFFFFFFFF  }
0xbc: {  	_ =	strace $0x90000048  }
0xbd: {  	_ =	sfence  }
0xbe: {  	s30 =	sld [smem:$0x0];
	_ =	sdelay $0x2  }
0xbf: {  	s31 =	sshll.u32 s1, $0xD;
	s1 =	sshrl.u32 s1, $0x2  }
0xc0: {  	s3 =	sand.u32 $0x4000, s31;
	s1 =	sadd.s32 s1, s30  }
0xc1: {  	s0 =	sor.u32 s3, s0;
	s1 =	sshll.u32 s1, $0x11  }
0xc2: {  	s0 =	sor.u32 s1, s0  }
0xc3: {  	s0 =	sadd.s32 $0x8F2B, s0  }
0xc4: {  	[sflag:s0] =	ssyncadd.remote.s32 $0x1  }
0xc5: {  	_ =	sfence.sel $0xFFFF  }
0xc6: {  	[dreg:$0x0] =	wrdreg $0xFFFFFFFF;
	(pc) =	sbr.abs _section_cstart, $3  }
0xc7: {  	[dreg:$0x1] =	wrdreg $0xFFFFFFFF  }
0xc8: {  	_ =	task.clear_ibuf [dreg:s9], $0x2FFFF;
	_ =	strace $0x9FFFFFFF  }
0xc9: {  	(tm) =	ssettm $0x7FFFFFFF  }
tec
execute0_lowered:
.L_overlay_start_1:
0x0: {  	(tag) =	ssettag $0x1  }
0x1: {  	s1 =	rddreg [dreg:$0x0]  }
0x2: {  	s2 =	srdreg.scid;
	s0 =	stileid.u32  }
0x3: {  	s4 =	rddreg [dreg:$0x1];
	s6 =	sand.u32 $0x1, s2;
	s30 =	sshll.u32 s0, $0x1  }
0x4: {  	s9 =	rddreg [dreg:$0x2];
	s3 =	simm.s32 $0x0;
	s10 =	sor.u32 s6, s30  }
0x5: {  	[smem:$0x7FF] =	sst s3;
	s5 =	smul.u32 $0x19, s10  }
0x6: {  	s2 =	rddreg [dreg:$0x3];
	_ =	strace $0x80000047  }
0x7: {  	s11 =	ssub.s32 $0x2, s6;
	s5 =	sadd.s32 s4, s5;
	s4 =	simm.s32 $0x2  }
0x8: {  	[tilespmem:s3], [sflag:$0x2] =	stream.linear.gather [hbm4b:s5+s3], $0xC8, $0x38;
	[tilespmem:$0x6500] =	vst v63  }
0x9: {  	s7 =	simm.s32 $0x100;
	s12 =	sshrl.u32 s11, $0x1;
	_ =	swait.ge [sflag:s4], $0xC8  }
0xa: {  	s8 =	simm.s32 $0x1;
	s11 =	ssub.s32 s11, s12;
	[sflag:s4] =	ssyncset.done $0x0  }
0xb: {  	s6 =	simm.s32 $0xC8;
	s31 =	smax.u32 s11, $0x1;
	[sflag:s4] =	ssyncadd.s32 $0xFFFFFF38  }
0xc: {  	[tilespmem:s7], [sflag:$0x1] =	stream.indirect.gather [hbm4b:s1+s6], $0x80, s3, s6, $0xb8;
	[tilespmem:$0x6500] =	vst v63  }
0xd: {  	s10 =	smul.u32 $0xC80, s10;
	p0 =	sne.s32 s31, $0x1;
	_ =	swait.ge [sflag:s8], $0x6400  }
.Ltmp0:
0xe: {  	[sflag:s8] =	ssyncset.done $0x0;
	(pc) =	sbr.rel @!p0 .LBB2_2-.Ltmp0, $4  }
0xf: {  	s9 =	sadd.s32 s9, s10;
	[sflag:s8] =	ssyncadd.s32 $0xFFFF9C00  }
0x10: {  	[hbm4b:s9+s3] =	stream.linear.scatter [tilespmem:s7], [sflag:$0x2], $0x6400, $0x38;
	[tilespmem:$0x6500] =	vst v63  }
0x11: {  	_ =	swait.ge [sflag:s4], $0x6400  }
0x12: {  	s10 =	sadd.s32 $0xFFFFFFFF, s31;
	[sflag:s4] =	ssyncset.done $0x0  }
.LBB2_1:
0x13: {  	p0 =	sne.s32 s10, $0x1;
	s10 =	sadd.s32 $0xFFFFFFFF, s10;
	[sflag:s4] =	ssyncadd.s32 $0xFFFF9C00  }
0x14: {  	[tilespmem:s3], [sflag:$0x2] =	stream.linear.gather [hbm4b:s5+s3], $0xC8, $0x38;
	[tilespmem:$0x6500] =	vst v63  }
0x15: {  	_ =	swait.ge [sflag:s4], $0xC8  }
0x16: {  	[sflag:s4] =	ssyncset.done $0x0  }
0x17: {  	[sflag:s4] =	ssyncadd.s32 $0xFFFFFF38  }
0x18: {  	[tilespmem:s7], [sflag:$0x1] =	stream.indirect.gather [hbm4b:s1+s6], $0x80, s3, s6, $0xb8;
	[tilespmem:$0x6500] =	vst v63  }
0x19: {  	_ =	swait.ge [sflag:s8], $0x6400  }
.Ltmp1:
0x1a: {  	[sflag:s8] =	ssyncset.done $0x0;
	(pc) =	sbr.rel @p0 .LBB2_1-.Ltmp1, $4  }
0x1b: {  	[sflag:s8] =	ssyncadd.s32 $0xFFFF9C00  }
0x1c: {  	[hbm4b:s9+s3] =	stream.linear.scatter [tilespmem:s7], [sflag:$0x2], $0x6400, $0x38;
	[tilespmem:$0x6500] =	vst v63  }
0x1d: {  	_ =	swait.ge [sflag:s4], $0x6400  }
0x1e: {  	[sflag:s4] =	ssyncset.done $0x0  }
.LBB2_2:
0x1f: {  	[sflag:s4] =	ssyncadd.s32 $0xFFFF9C00  }
0x20: {  	_ =	sfence.sel $0x180000  }
0x21: {  	[bflag:$0x0] =	sbarrier.arrive $0xFFFF  }
0x22: {  	p0 =	sne.s32 s0, $0x0;
	_ =	strace $0x90000047  }
0x23: {  	s0 =	sadd.s32 @!p0 $0x100000, s2;
	[bflag:$0x2] =	sbarrier.arrive $0xFFFF  }
0x24: {  	[sflag:s0] =	ssyncadd.tile.s32 @!p0 $0x1;
	_ =	shalt  }
.Lfunc_end2:
_tile_overlayer_lowered:
.L_overlay_start_2:
0x25: {  	(tag) =	ssettag $0x2  }
0x26: {  	s0 =	rddreg [dreg:$0x0];
	s2 =	stileid.u32  }
0x27: {  	s1 =	rddreg [dreg:$0x1];
	p0 =	sne.s32 s2, $0x0  }
0x28: {  	s3 =	rddreg [dreg:$0x2];
	[bflag:$0x3] =	sbarrier.arrive $0xFFFF;
	s2 =	simm.s32 @!p0 $0x1C02  }
0x29: {  	[timem:s3], [sflag:s2] =	dma.local @!p0 [hbm:s0], s1  }
0x2a: {  	s0 =	simm.s32 @!p0 $0x2  }
0x2b: {  	_ =	swait.ge @!p0 [sflag:s0], s1  }
0x2c: {  	s1 =	ssub.s32 @!p0 $0x0, s1;
	[sflag:s0] =	ssyncset.done @!p0 $0x0  }
0x2d: {  	[sflag:s0] =	ssyncadd.s32 @!p0 s1  }
0x2e: {  	[bflag:$0x3] =	sbarrier.arrive $0xFFFF  }
0x2f: {  	_ =	shalt  }

</sc_bundles>
